<compile_context>
chip_gen: v7x
topology: tpu7x:2x2x1
jax: 0.10.2.dev20260603
libtpu: 0.0.44.dev20260713+nightly
codegen_flags: <defaults>
</compile_context>

<pallas_src>
import functools

import jax
import jax.numpy as jnp
from jax import lax
from jax.experimental import pallas as pl
from jax.experimental.pallas import tpu as pltpu
from jax.experimental.pallas import tpu_sc as plsc

B = 64
TI = 256
CJ = 2048
EC = 80


def _edge_agg_sc(x, src, dst):
    n, d = x.shape
    e = src.shape[0]
    info = plsc.get_sparse_core_info()
    nc, ns = info.num_cores, info.num_subcores
    nw = nc * ns
    npad = ((n + 8 * ns - 1) // (8 * ns)) * (8 * ns)
    rps = npad // ns

    epw = -(-e // nw)
    epw = ((epw + EC - 1) // EC) * EC
    nch = epw // EC
    padlen = epw * nw - e
    if padlen:
        src = jnp.concatenate([src, jnp.zeros((padlen,), jnp.int32)])
        dst = jnp.concatenate([dst, jnp.full((padlen,), n, jnp.int32)])

    src3 = src.reshape(nw, nch, EC)
    dst3 = dst.reshape(nw, nch, EC)
    zero = jnp.zeros((rps, d), jnp.float32)

    mesh = plsc.VectorSubcoreMesh(core_axis_name="c", subcore_axis_name="s")

    @functools.partial(
        pl.kernel,
        mesh=mesh,
        compiler_params=pltpu.CompilerParams(needs_layout_passes=False),
        out_type=jax.ShapeDtypeStruct((nc * npad, d), jnp.float32),
        scratch_types=[
            pltpu.VMEM((nch, EC), jnp.int32),
            pltpu.VMEM((nch, EC), jnp.int32),
            pltpu.VMEM((EC, d), jnp.float32),
            pltpu.VMEM_SHARED((npad, d), jnp.float32),
            pltpu.SemaphoreType.DMA,
        ],
    )
    def agg(x_hbm, src_hbm, dst_hbm, zero_hbm, out_hbm,
            src_v, dst_v, rows_v, acc_sh, sem):
        cid = lax.axis_index("c")
        sid = lax.axis_index("s")
        wid = cid * ns + sid
        pltpu.sync_copy(zero_hbm, acc_sh.at[pl.ds(sid * rps, rps)])
        pltpu.sync_copy(src_hbm.at[wid], src_v)
        pltpu.sync_copy(dst_hbm.at[wid], dst_v)
        plsc.subcore_barrier()

        def body(t, carry):
            pltpu.async_copy(x_hbm.at[src_v.at[t]], rows_v, sem).wait()
            pltpu.sync_copy(rows_v, acc_sh.at[dst_v.at[t]], add=True)
            return carry

        lax.fori_loop(0, nch, body, 0)
        plsc.subcore_barrier()
        pltpu.sync_copy(acc_sh.at[pl.ds(sid * rps, rps)],
                        out_hbm.at[pl.ds(cid * npad + sid * rps, rps)])

    out = agg(x, src3, dst3, zero)
    return jnp.concatenate([out[0:n], out[npad:npad + n]], axis=0)


def _k2_score(partials, x, w_rel, w_root, b_rel):
    n, d = x.shape

    def body(p_ref, x_ref, wa_ref, wb_ref, b_ref, s_ref):
        aggv = p_ref[0:n, :] + p_ref[n:2 * n, :]
        pre = (jnp.dot(aggv, wa_ref[...], preferred_element_type=jnp.float32)
               + b_ref[0, 0]
               + jnp.dot(x_ref[...], wb_ref[...],
                         preferred_element_type=jnp.float32))
        s_ref[...] = jnp.tanh(pre)

    return pl.pallas_call(
        body,
        out_shape=jax.ShapeDtypeStruct((n, 1), jnp.float32),
    )(partials, x, w_rel, w_root, b_rel.reshape(1, 1))


def _k3_pool(score_col, batch_col, score_row, batch_row, xp):
    np_, d = xp.shape
    nt = np_ // TI
    ncj = np_ // CJ

    def body(sc_ref, bc_ref, sr_ref, br_ref, x_ref, out_ref, cnt_ref):
        i = pl.program_id(0)
        s_i = sc_ref[...]
        b_i = bc_ref[...]
        row_ids = i * TI + lax.broadcasted_iota(jnp.int32, (TI, 1), 0)

        def chunk(c, carry):
            rank, cnt = carry
            s_j = sr_ref[:, pl.ds(c * CJ, CJ)]
            b_j = br_ref[:, pl.ds(c * CJ, CJ)]
            col_ids = c * CJ + lax.broadcasted_iota(jnp.int32, (1, CJ), 1)
            same = b_j == b_i
            beats = (s_j > s_i) | ((s_j == s_i) & (col_ids < row_ids))
            rank = rank + jnp.sum(jnp.where(same & beats, 1.0, 0.0),
                                  axis=1, keepdims=True)
            cnt = cnt + jnp.sum(jnp.where(same, 1.0, 0.0),
                                axis=1, keepdims=True)
            return rank, cnt

        rank, cnt = lax.fori_loop(
            0, ncj, chunk,
            (jnp.zeros((TI, 1), jnp.float32), jnp.zeros((TI, 1), jnp.float32)))

        k = jnp.floor((cnt + 1.0) * 0.5)
        keep = (rank < k) & (b_i < B)
        multv = jnp.where(keep, s_i, 0.0)
        xw = x_ref[...] * multv

        b_i_row = br_ref[:, pl.ds(i * TI, TI)]
        bins = lax.broadcasted_iota(jnp.int32, (B, 1), 0)
        ind = (bins == b_i_row).astype(jnp.float32)
        contrib = jnp.dot(ind, xw, preferred_element_type=jnp.float32)
        cntc = jnp.dot(ind, keep.astype(jnp.float32),
                       preferred_element_type=jnp.float32)

        @pl.when(i == 0)
        def _():
            out_ref[...] = jnp.zeros_like(out_ref)
            cnt_ref[...] = jnp.zeros_like(cnt_ref)

        out_ref[...] += contrib
        cnt_ref[...] += cntc

        @pl.when(i == nt - 1)
        def _():
            out_ref[...] = out_ref[...] / jnp.maximum(cnt_ref[...], 1.0)

    return pl.pallas_call(
        body,
        grid=(nt,),
        in_specs=[
            pl.BlockSpec((TI, 1), lambda i: (i, 0)),
            pl.BlockSpec((TI, 1), lambda i: (i, 0)),
            pl.BlockSpec((1, np_), lambda i: (0, 0)),
            pl.BlockSpec((1, np_), lambda i: (0, 0)),
            pl.BlockSpec((TI, d), lambda i: (i, 0)),
        ],
        out_specs=pl.BlockSpec((B, d), lambda i: (0, 0)),
        out_shape=jax.ShapeDtypeStruct((B, d), jnp.float32),
        scratch_shapes=[pltpu.VMEM((B, 1), jnp.float32)],
    )(score_col, batch_col, score_row, batch_row, xp)


def kernel(x, edge_index, batch, W_rel, b_rel, W_root):
    n, d = x.shape
    np_ = ((n + CJ - 1) // CJ) * CJ

    src = edge_index[0].astype(jnp.int32)
    dst = edge_index[1].astype(jnp.int32)
    partials = _edge_agg_sc(x, src, dst)

    score = _k2_score(partials, x, W_rel, W_root, b_rel.astype(jnp.float32))

    pad = np_ - n
    score_col = jnp.pad(score, ((0, pad), (0, 0)))
    score_row = score_col.reshape(1, np_)
    batch_p = jnp.pad(batch.astype(jnp.int32), (0, pad),
                      constant_values=jnp.int32(1 << 20))
    batch_row = batch_p.reshape(1, np_)
    batch_col = batch_p.reshape(np_, 1)
    xp = jnp.pad(x, ((0, pad), (0, 0)))

    return _k3_pool(score_col, batch_col, score_row, batch_row, xp)

# --- scband reference (transcript-rebuilt; emitter-appended) ---
"""Pipeline reference for scband-sagpool-16372415332891 (READ-ONLY COPY).

The authoritative reference and input builder live on the scoring server;
editing this copy changes nothing except your own understanding.
"""

import jax, jax.numpy as jnp
import numpy as np

N = 10000      # nodes
E = 320000     # edges
D = 128        # in_channels
B = 64         # number of graphs in batch
RATIO = 0.5


def setup_inputs(seed: int = 0) -> dict:
    key = jax.random.key(seed)
    k1, k2, k3, k4, k5 = jax.random.split(key, 5)
    x = jax.random.normal(k1, (N, D), dtype=jnp.float32)
    edge_index = jax.random.randint(k2, (2, E), 0, N)
    batch = jnp.sort(jax.random.randint(k3, (N,), 0, B))
    # GraphConv(in_channels=D, out_channels=1): lin_rel (with bias) on aggregated
    # neighbors + lin_root (no bias) on self features.
    W_rel = jax.random.normal(k4, (D, 1), dtype=jnp.float32) * 0.05
    b_rel = jnp.zeros((1,), dtype=jnp.float32)
    W_root = jax.random.normal(k5, (D, 1), dtype=jnp.float32) * 0.05
    return {"x": x, "edge_index": edge_index, "batch": batch,
            "W_rel": W_rel, "b_rel": b_rel, "W_root": W_root}


def reference(x, edge_index, batch, W_rel, b_rel, W_root):
    src = edge_index[0]
    dst = edge_index[1]
    # GraphConv score: sum-aggregate neighbor features into dst, then linear.
    agg = jax.ops.segment_sum(x[src], dst, num_segments=N)
    score = (agg @ W_rel + b_rel + x @ W_root).reshape(-1)
    # SAGPooling default nonlinearity = tanh, applied before topk.
    score = jnp.tanh(score)
    # Per-graph topk with ratio: rank nodes within each graph by descending score.
    order = jnp.lexsort((-score, batch))  # primary key: batch, secondary: -score
    counts = jnp.bincount(batch, length=B)
    starts = jnp.cumsum(counts) - counts
    batch_sorted = batch[order]
    rank_within = jnp.arange(N) - starts[batch_sorted]
    k_per_graph = jnp.ceil(RATIO * counts.astype(jnp.float32)).astype(jnp.int32)
    keep_sorted = rank_within < k_per_graph[batch_sorted]
    keep = jnp.zeros((N,), dtype=bool).at[order].set(keep_sorted)
    # x[perm] * score[perm] for kept nodes (others masked out of the mean).
    mult = jnp.where(keep, score, 0.0)
    x_pooled = x * mult[:, None]
    # global_mean_pool over kept nodes per graph.
    sums = jax.ops.segment_sum(x_pooled, batch, num_segments=B)
    cnt = jax.ops.segment_sum(keep.astype(jnp.float32), batch, num_segments=B)
    out = sums / jnp.maximum(cnt, 1.0)[:, None]
    return out

if __name__ == "__main__":
    import jax
    _d = setup_inputs()
    print(jax.jit(kernel)(*tuple(_d.values())))

</pallas_src>

<mosaic_0001>
#map = affine_map<(d0, d1) -> (0, 0)>
#map1 = affine_map<(d0, d1) -> (0, 0, 0)>
module attributes {stable_mosaic.version = 14 : i64} {
  func.func @agg(%arg0: i32, %arg1: i32, %arg2: memref<10000x128xf32, #tpu.memory_space<hbm>>, %arg3: memref<32x125x80xi32, #tpu.memory_space<hbm>>, %arg4: memref<32x125x80xi32, #tpu.memory_space<hbm>>, %arg5: memref<632x128xf32, #tpu.memory_space<hbm>>, %arg6: memref<20224x128xf32, #tpu.memory_space<hbm>>, %arg7: memref<125x80xi32, #tpu.memory_space<vmem>>, %arg8: memref<125x80xi32, #tpu.memory_space<vmem>>, %arg9: memref<80x128xf32, #tpu.memory_space<vmem>>, %arg10: memref<10112x128xf32, #tpu.memory_space<vmem_shared>>, %arg11: memref<!tpu.dma_semaphore, #tpu.memory_space<semaphore_mem>>) attributes {dimension_semantics = [#tpu.dimension_semantics<core_parallel>, #tpu.dimension_semantics<subcore_parallel>], iteration_bounds = array<i64: 2, 16>, scalar_prefetch = 0 : i64, scratch_operands = 5 : i64, tpu.core_type = #tpu.core_type<sc_vector_subcore>, window_params = [{transform_indices = #map}, {transform_indices = #map1}, {transform_indices = #map1}, {transform_indices = #map}, {transform_indices = #map}]} {
    %mul3A = arith.constant 16 : i32
    %mul3A_0 = arith.muli %arg0, %mul3A : i32
    %add3A = arith.addi %mul3A_0, %arg1 : i32
    %mul3A_1 = arith.constant 632 : i32
    %mul3A_2 = arith.muli %arg1, %mul3A_1 : i32
    "tpu.region"() ({
      %run_scoped3A = tpu.sem_alloc : memref<!tpu.dma_semaphore, #tpu.memory_space<semaphore_mem>>
      %dma_start3A = arith.constant 0 : i32
      %dma_start3A_16 = tpu.memref_slice %arg10[%mul3A_2, %dma_start3A] : memref<10112x128xf32, #tpu.memory_space<vmem_shared>> -> memref<632x128xf32, #tpu.memory_space<vmem_shared>>
      tpu.enqueue_dma source(%arg5 : memref<632x128xf32, #tpu.memory_space<hbm>>) target(%dma_start3A_16 : memref<632x128xf32, #tpu.memory_space<vmem_shared>>) target_semaphore(%run_scoped3A : memref<!tpu.dma_semaphore, #tpu.memory_space<semaphore_mem>>)
      %dma_wait3A = arith.constant 0 : i32
      %dma_wait3A_17 = tpu.memref_slice %arg10[%mul3A_2, %dma_wait3A] : memref<10112x128xf32, #tpu.memory_space<vmem_shared>> -> memref<632x128xf32, #tpu.memory_space<vmem_shared>>
      tpu.wait_dma2 semaphore(%run_scoped3A : memref<!tpu.dma_semaphore, #tpu.memory_space<semaphore_mem>>) src(%arg5 : memref<632x128xf32, #tpu.memory_space<hbm>>) dst(%dma_wait3A_17 : memref<632x128xf32, #tpu.memory_space<vmem_shared>>)
      tpu.yield
    }) : () -> ()
    "tpu.region"() ({
      %run_scoped3A = tpu.sem_alloc : memref<!tpu.dma_semaphore, #tpu.memory_space<semaphore_mem>>
      %dma_start3A = arith.constant 0 : i32
      %dma_start3A_16 = arith.constant 0 : i32
      %dma_start3A_17 = tpu.memref_slice %arg3[%add3A, %dma_start3A, %dma_start3A_16] : memref<32x125x80xi32, #tpu.memory_space<hbm>> -> memref<1x125x80xi32, #tpu.memory_space<hbm>>
      %dma_start3A_18 = tpu.memref_squeeze %dma_start3A_17 : memref<1x125x80xi32, #tpu.memory_space<hbm>> -> memref<125x80xi32, #tpu.memory_space<hbm>>
      %dma_start3A_19 = arith.constant 0 : i32
      %dma_start3A_20 = arith.constant 0 : i32
      %dma_start3A_21 = tpu.memref_slice %arg3[%add3A, %dma_start3A_19, %dma_start3A_20] : memref<32x125x80xi32, #tpu.memory_space<hbm>> -> memref<1x125x80xi32, #tpu.memory_space<hbm>>
      %dma_start3A_22 = tpu.memref_squeeze %dma_start3A_21 : memref<1x125x80xi32, #tpu.memory_space<hbm>> -> memref<125x80xi32, #tpu.memory_space<hbm>>
      tpu.enqueue_dma source(%dma_start3A_22 : memref<125x80xi32, #tpu.memory_space<hbm>>) target(%arg7 : memref<125x80xi32, #tpu.memory_space<vmem>>) target_semaphore(%run_scoped3A : memref<!tpu.dma_semaphore, #tpu.memory_space<semaphore_mem>>)
      %dma_wait3A = arith.constant 0 : i32
      %dma_wait3A_23 = arith.constant 0 : i32
      %dma_wait3A_24 = tpu.memref_slice %arg3[%add3A, %dma_wait3A, %dma_wait3A_23] : memref<32x125x80xi32, #tpu.memory_space<hbm>> -> memref<1x125x80xi32, #tpu.memory_space<hbm>>
      %dma_wait3A_25 = tpu.memref_squeeze %dma_wait3A_24 : memref<1x125x80xi32, #tpu.memory_space<hbm>> -> memref<125x80xi32, #tpu.memory_space<hbm>>
      %dma_wait3A_26 = arith.constant 0 : i32
      %dma_wait3A_27 = arith.constant 0 : i32
      %dma_wait3A_28 = tpu.memref_slice %arg3[%add3A, %dma_wait3A_26, %dma_wait3A_27] : memref<32x125x80xi32, #tpu.memory_space<hbm>> -> memref<1x125x80xi32, #tpu.memory_space<hbm>>
      %dma_wait3A_29 = tpu.memref_squeeze %dma_wait3A_28 : memref<1x125x80xi32, #tpu.memory_space<hbm>> -> memref<125x80xi32, #tpu.memory_space<hbm>>
      tpu.wait_dma2 semaphore(%run_scoped3A : memref<!tpu.dma_semaphore, #tpu.memory_space<semaphore_mem>>) src(%dma_wait3A_29 : memref<125x80xi32, #tpu.memory_space<hbm>>) dst(%arg7 : memref<125x80xi32, #tpu.memory_space<vmem>>)
      tpu.yield
    }) : () -> ()
    "tpu.region"() ({
      %run_scoped3A = tpu.sem_alloc : memref<!tpu.dma_semaphore, #tpu.memory_space<semaphore_mem>>
      %dma_start3A = arith.constant 0 : i32
      %dma_start3A_16 = arith.constant 0 : i32
      %dma_start3A_17 = tpu.memref_slice %arg4[%add3A, %dma_start3A, %dma_start3A_16] : memref<32x125x80xi32, #tpu.memory_space<hbm>> -> memref<1x125x80xi32, #tpu.memory_space<hbm>>
      %dma_start3A_18 = tpu.memref_squeeze %dma_start3A_17 : memref<1x125x80xi32, #tpu.memory_space<hbm>> -> memref<125x80xi32, #tpu.memory_space<hbm>>
      %dma_start3A_19 = arith.constant 0 : i32
      %dma_start3A_20 = arith.constant 0 : i32
      %dma_start3A_21 = tpu.memref_slice %arg4[%add3A, %dma_start3A_19, %dma_start3A_20] : memref<32x125x80xi32, #tpu.memory_space<hbm>> -> memref<1x125x80xi32, #tpu.memory_space<hbm>>
      %dma_start3A_22 = tpu.memref_squeeze %dma_start3A_21 : memref<1x125x80xi32, #tpu.memory_space<hbm>> -> memref<125x80xi32, #tpu.memory_space<hbm>>
      tpu.enqueue_dma source(%dma_start3A_22 : memref<125x80xi32, #tpu.memory_space<hbm>>) target(%arg8 : memref<125x80xi32, #tpu.memory_space<vmem>>) target_semaphore(%run_scoped3A : memref<!tpu.dma_semaphore, #tpu.memory_space<semaphore_mem>>)
      %dma_wait3A = arith.constant 0 : i32
      %dma_wait3A_23 = arith.constant 0 : i32
      %dma_wait3A_24 = tpu.memref_slice %arg4[%add3A, %dma_wait3A, %dma_wait3A_23] : memref<32x125x80xi32, #tpu.memory_space<hbm>> -> memref<1x125x80xi32, #tpu.memory_space<hbm>>
      %dma_wait3A_25 = tpu.memref_squeeze %dma_wait3A_24 : memref<1x125x80xi32, #tpu.memory_space<hbm>> -> memref<125x80xi32, #tpu.memory_space<hbm>>
      %dma_wait3A_26 = arith.constant 0 : i32
      %dma_wait3A_27 = arith.constant 0 : i32
      %dma_wait3A_28 = tpu.memref_slice %arg4[%add3A, %dma_wait3A_26, %dma_wait3A_27] : memref<32x125x80xi32, #tpu.memory_space<hbm>> -> memref<1x125x80xi32, #tpu.memory_space<hbm>>
      %dma_wait3A_29 = tpu.memref_squeeze %dma_wait3A_28 : memref<1x125x80xi32, #tpu.memory_space<hbm>> -> memref<125x80xi32, #tpu.memory_space<hbm>>
      tpu.wait_dma2 semaphore(%run_scoped3A : memref<!tpu.dma_semaphore, #tpu.memory_space<semaphore_mem>>) src(%dma_wait3A_29 : memref<125x80xi32, #tpu.memory_space<hbm>>) dst(%arg8 : memref<125x80xi32, #tpu.memory_space<vmem>>)
      tpu.yield
    }) : () -> ()
    %barrier3A = arith.constant 0 : index
    tpu.barrier barrier_id(%barrier3A)
    %scan3A = arith.constant 0 : i32
    %scan3A_3 = arith.constant 0 : i32
    %scan3A_4 = arith.constant 125 : i32
    %scan3A_5 = arith.addi %scan3A_3, %scan3A_4 : i32
    %scan3A_6 = arith.constant 1 : i32
    scf.for %scan3A_16 = %scan3A_3 to %scan3A_5 step %scan3A_6  : i32 {
      %dma_start3A = arith.constant 0 : i32
      %dma_start3A_17 = tpu.memref_slice %arg7[%scan3A_16, %dma_start3A] : memref<125x80xi32, #tpu.memory_space<vmem>> -> memref<1x80xi32, #tpu.memory_space<vmem>>
      %dma_start3A_18 = tpu.memref_squeeze %dma_start3A_17 : memref<1x80xi32, #tpu.memory_space<vmem>> -> memref<80xi32, #tpu.memory_space<vmem>>
      %dma_start3A_19 = arith.constant 0 : i32
      %dma_start3A_20 = arith.constant 0 : i32
      %dma_start3A_21 = tpu.memref_slice %arg2[%dma_start3A_19, %dma_start3A_20] : memref<10000x128xf32, #tpu.memory_space<hbm>> -> memref<10000x128xf32, #tpu.memory_space<hbm>>
      tpu.enqueue_indirect_dma source(%dma_start3A_21 : memref<10000x128xf32, #tpu.memory_space<hbm>>) target(%arg9 : memref<80x128xf32, #tpu.memory_space<vmem>>) offsets(%dma_start3A_18 : memref<80xi32, #tpu.memory_space<vmem>>) semaphore(%arg11 : memref<!tpu.dma_semaphore, #tpu.memory_space<semaphore_mem>>)
      %dma_wait3A = arith.constant 0 : i32
      %dma_wait3A_22 = tpu.memref_slice %arg7[%scan3A_16, %dma_wait3A] : memref<125x80xi32, #tpu.memory_space<vmem>> -> memref<1x80xi32, #tpu.memory_space<vmem>>
      %dma_wait3A_23 = tpu.memref_squeeze %dma_wait3A_22 : memref<1x80xi32, #tpu.memory_space<vmem>> -> memref<80xi32, #tpu.memory_space<vmem>>
      %dma_wait3A_24 = arith.constant 0 : i32
      %dma_wait3A_25 = arith.constant 0 : i32
      %dma_wait3A_26 = tpu.memref_slice %arg2[%dma_wait3A_24, %dma_wait3A_25] : memref<10000x128xf32, #tpu.memory_space<hbm>> -> memref<10000x128xf32, #tpu.memory_space<hbm>>
      tpu.wait_indirect_dma semaphore(%arg11 : memref<!tpu.dma_semaphore, #tpu.memory_space<semaphore_mem>>) src(%dma_wait3A_26 : memref<10000x128xf32, #tpu.memory_space<hbm>>) dst(%arg9 : memref<80x128xf32, #tpu.memory_space<vmem>>)
      "tpu.region"() ({
        %run_scoped3A = tpu.sem_alloc : memref<!tpu.dma_semaphore, #tpu.memory_space<semaphore_mem>>
        %dma_start3A_27 = arith.constant 0 : i32
        %dma_start3A_28 = tpu.memref_slice %arg8[%scan3A_16, %dma_start3A_27] : memref<125x80xi32, #tpu.memory_space<vmem>> -> memref<1x80xi32, #tpu.memory_space<vmem>>
        %dma_start3A_29 = tpu.memref_squeeze %dma_start3A_28 : memref<1x80xi32, #tpu.memory_space<vmem>> -> memref<80xi32, #tpu.memory_space<vmem>>
        %dma_start3A_30 = arith.constant 0 : i32
        %dma_start3A_31 = arith.constant 0 : i32
        %dma_start3A_32 = tpu.memref_slice %arg10[%dma_start3A_30, %dma_start3A_31] : memref<10112x128xf32, #tpu.memory_space<vmem_shared>> -> memref<10112x128xf32, #tpu.memory_space<vmem_shared>>
        tpu.enqueue_indirect_dma source(%arg9 : memref<80x128xf32, #tpu.memory_space<vmem>>) target(%dma_start3A_32 : memref<10112x128xf32, #tpu.memory_space<vmem_shared>>) offsets(%dma_start3A_29 : memref<80xi32, #tpu.memory_space<vmem>>) semaphore(%run_scoped3A : memref<!tpu.dma_semaphore, #tpu.memory_space<semaphore_mem>>) {add = true}
        %dma_wait3A_33 = arith.constant 0 : i32
        %dma_wait3A_34 = tpu.memref_slice %arg8[%scan3A_16, %dma_wait3A_33] : memref<125x80xi32, #tpu.memory_space<vmem>> -> memref<1x80xi32, #tpu.memory_space<vmem>>
        %dma_wait3A_35 = tpu.memref_squeeze %dma_wait3A_34 : memref<1x80xi32, #tpu.memory_space<vmem>> -> memref<80xi32, #tpu.memory_space<vmem>>
        %dma_wait3A_36 = arith.constant 0 : i32
        %dma_wait3A_37 = arith.constant 0 : i32
        %dma_wait3A_38 = tpu.memref_slice %arg10[%dma_wait3A_36, %dma_wait3A_37] : memref<10112x128xf32, #tpu.memory_space<vmem_shared>> -> memref<10112x128xf32, #tpu.memory_space<vmem_shared>>
        tpu.wait_indirect_dma semaphore(%run_scoped3A : memref<!tpu.dma_semaphore, #tpu.memory_space<semaphore_mem>>) src(%arg9 : memref<80x128xf32, #tpu.memory_space<vmem>>) dst(%dma_wait3A_38 : memref<10112x128xf32, #tpu.memory_space<vmem_shared>>)
        tpu.yield
      }) : () -> ()
    }
    %scan3A_7 = arith.constant 125 : i32
    %barrier3A_8 = arith.constant 0 : index
    tpu.barrier barrier_id(%barrier3A_8)
    %mul3A_9 = arith.constant 632 : i32
    %mul3A_10 = arith.muli %arg1, %mul3A_9 : i32
    %mul3A_11 = arith.constant 10112 : i32
    %mul3A_12 = arith.muli %arg0, %mul3A_11 : i32
    %mul3A_13 = arith.constant 632 : i32
    %mul3A_14 = arith.muli %arg1, %mul3A_13 : i32
    %add3A_15 = arith.addi %mul3A_12, %mul3A_14 : i32
    "tpu.region"() ({
      %run_scoped3A = tpu.sem_alloc : memref<!tpu.dma_semaphore, #tpu.memory_space<semaphore_mem>>
      %dma_start3A = arith.constant 0 : i32
      %dma_start3A_16 = tpu.memref_slice %arg6[%add3A_15, %dma_start3A] : memref<20224x128xf32, #tpu.memory_space<hbm>> -> memref<632x128xf32, #tpu.memory_space<hbm>>
      %dma_start3A_17 = arith.constant 0 : i32
      %dma_start3A_18 = tpu.memref_slice %arg10[%mul3A_10, %dma_start3A_17] : memref<10112x128xf32, #tpu.memory_space<vmem_shared>> -> memref<632x128xf32, #tpu.memory_space<vmem_shared>>
      tpu.enqueue_dma source(%dma_start3A_18 : memref<632x128xf32, #tpu.memory_space<vmem_shared>>) target(%dma_start3A_16 : memref<632x128xf32, #tpu.memory_space<hbm>>) target_semaphore(%run_scoped3A : memref<!tpu.dma_semaphore, #tpu.memory_space<semaphore_mem>>)
      %dma_wait3A = arith.constant 0 : i32
      %dma_wait3A_19 = tpu.memref_slice %arg6[%add3A_15, %dma_wait3A] : memref<20224x128xf32, #tpu.memory_space<hbm>> -> memref<632x128xf32, #tpu.memory_space<hbm>>
      %dma_wait3A_20 = arith.constant 0 : i32
      %dma_wait3A_21 = tpu.memref_slice %arg10[%mul3A_10, %dma_wait3A_20] : memref<10112x128xf32, #tpu.memory_space<vmem_shared>> -> memref<632x128xf32, #tpu.memory_space<vmem_shared>>
      tpu.wait_dma2 semaphore(%run_scoped3A : memref<!tpu.dma_semaphore, #tpu.memory_space<semaphore_mem>>) src(%dma_wait3A_21 : memref<632x128xf32, #tpu.memory_space<vmem_shared>>) dst(%dma_wait3A_19 : memref<632x128xf32, #tpu.memory_space<hbm>>)
      tpu.yield
    }) : () -> ()
    return
  }
}

module attributes {stable_mosaic.version = 14 : i64} {
  func.func @body(%arg0: memref<20000x128xf32, #tpu.memory_space<vmem>>, %arg1: memref<10000x128xf32, #tpu.memory_space<vmem>>, %arg2: memref<128x1xf32, #tpu.memory_space<vmem>>, %arg3: memref<128x1xf32, #tpu.memory_space<vmem>>, %arg4: memref<1x1xf32, #tpu.memory_space<vmem>>, %arg5: memref<10000x1xf32, #tpu.memory_space<vmem>>) attributes {dimension_semantics = [], scalar_prefetch = 0 : i64, scratch_operands = 0 : i64, tpu.core_type = #tpu.core_type<tc>} {
    %get3A = arith.constant 0 : index
    %get3A_0 = arith.constant 0 : index
    %get3A_1 = vector.load %arg0[%get3A, %get3A_0] : memref<20000x128xf32, #tpu.memory_space<vmem>>, vector<10000x128xf32>
    %get3A_2 = arith.constant 10000 : index
    %get3A_3 = arith.constant 0 : index
    %get3A_4 = vector.load %arg0[%get3A_2, %get3A_3] : memref<20000x128xf32, #tpu.memory_space<vmem>>, vector<10000x128xf32>
    %add3A = arith.addf %get3A_1, %get3A_4 : vector<10000x128xf32>
    %get3A_5 = arith.constant 0 : index
    %get3A_6 = arith.constant 0 : index
    %get3A_7 = vector.load %arg2[%get3A_5, %get3A_6] : memref<128x1xf32, #tpu.memory_space<vmem>>, vector<128x1xf32>
    %dot_general3A = arith.constant dense<0.000000e+00> : vector<10000x1xf32>
    %dot_general3A_8 = tpu.matmul %add3A, %get3A_7, %dot_general3A {dimension_numbers = #tpu.dot_dimension_numbers<[1], [0], [0], [1], [0, 0, 1, 1], [], []>, transpose_lhs_hint = false} : vector<10000x128xf32>, vector<128x1xf32>, vector<10000x1xf32> -> vector<10000x1xf32>
    %get3A_9 = arith.constant 0 : index
    %get3A_10 = arith.constant 0 : index
    %get3A_11 = vector.load %arg4[%get3A_9, %get3A_10] : memref<1x1xf32, #tpu.memory_space<vmem>>, vector<1x1xf32>
    %get3A_12 = vector.extract %get3A_11[0, 0] : f32 from vector<1x1xf32>
    %add3A_13 = vector.broadcast %get3A_12 : f32 to vector<10000x1xf32>
    %add3A_14 = arith.addf %dot_general3A_8, %add3A_13 : vector<10000x1xf32>
    %get3A_15 = arith.constant 0 : index
    %get3A_16 = arith.constant 0 : index
    %get3A_17 = vector.load %arg1[%get3A_15, %get3A_16] : memref<10000x128xf32, #tpu.memory_space<vmem>>, vector<10000x128xf32>
    %get3A_18 = arith.constant 0 : index
    %get3A_19 = arith.constant 0 : index
    %get3A_20 = vector.load %arg3[%get3A_18, %get3A_19] : memref<128x1xf32, #tpu.memory_space<vmem>>, vector<128x1xf32>
    %dot_general3A_21 = arith.constant dense<0.000000e+00> : vector<10000x1xf32>
    %dot_general3A_22 = tpu.matmul %get3A_17, %get3A_20, %dot_general3A_21 {dimension_numbers = #tpu.dot_dimension_numbers<[1], [0], [0], [1], [0, 0, 1, 1], [], []>, transpose_lhs_hint = false} : vector<10000x128xf32>, vector<128x1xf32>, vector<10000x1xf32> -> vector<10000x1xf32>
    %add3A_23 = arith.addf %add3A_14, %dot_general3A_22 : vector<10000x1xf32>
    %tanh3A = math.tanh %add3A_23 : vector<10000x1xf32>
    %swap3A = arith.constant 0 : index
    %swap3A_24 = arith.constant 0 : index
    %swap3A_25 = vector.load %arg5[%swap3A, %swap3A_24] : memref<10000x1xf32, #tpu.memory_space<vmem>>, vector<10000x1xf32>
    tpu.vector_store %arg5[%swap3A, %swap3A_24], %tanh3A {strides = array<i32>} : memref<10000x1xf32, #tpu.memory_space<vmem>>, vector<10000x1xf32>,
    return
  }
}

module attributes {stable_mosaic.version = 14 : i64} {
  func.func @body(%arg0: i32, %arg1: memref<256x1xf32, #tpu.memory_space<vmem>>, %arg2: memref<256x1xi32, #tpu.memory_space<vmem>>, %arg3: memref<1x10240xf32, #tpu.memory_space<vmem>>, %arg4: memref<1x10240xi32, #tpu.memory_space<vmem>>, %arg5: memref<256x128xf32, #tpu.memory_space<vmem>>, %arg6: memref<64x128xf32, #tpu.memory_space<vmem>>, %arg7: memref<64x1xf32, #tpu.memory_space<vmem>>) attributes {dimension_semantics = [#tpu.dimension_semantics<arbitrary>], iteration_bounds = array<i64: 40>, scalar_prefetch = 0 : i64, scratch_operands = 1 : i64, tpu.core_type = #tpu.core_type<tc>, window_params = [{transform_indices = @transform_0, window_bounds = array<i64: 256, 1>}, {transform_indices = @transform_1, window_bounds = array<i64: 256, 1>}, {pipeline_mode = #tpu.pipeline_mode<synchronous>, transform_indices = @transform_2, window_bounds = array<i64: 1, 10240>}, {pipeline_mode = #tpu.pipeline_mode<synchronous>, transform_indices = @transform_3, window_bounds = array<i64: 1, 10240>}, {transform_indices = @transform_4, window_bounds = array<i64: 256, 128>}, {pipeline_mode = #tpu.pipeline_mode<synchronous>, transform_indices = @transform_5, window_bounds = array<i64: 64, 128>}]} {
    %get3A = arith.constant 0 : index
    %get3A_0 = arith.constant 0 : index
    %get3A_1 = vector.load %arg1[%get3A, %get3A_0] : memref<256x1xf32, #tpu.memory_space<vmem>>, vector<256x1xf32>
    %get3A_2 = arith.constant 0 : index
    %get3A_3 = arith.constant 0 : index
    %get3A_4 = vector.load %arg2[%get3A_2, %get3A_3] : memref<256x1xi32, #tpu.memory_space<vmem>>, vector<256x1xi32>
    %mul3A = arith.constant 256 : i32
    %mul3A_5 = arith.muli %arg0, %mul3A : i32
    %iota3A = tpu.iota {dimensions = array<i32: 0>} : vector<256x1xi32>
    %add3A = vector.broadcast %mul3A_5 : i32 to vector<256x1xi32>
    %add3A_6 = arith.addi %add3A, %iota3A : vector<256x1xi32>
    %broadcast_in_dim3A = arith.constant 0.000000e+00 : f32
    %broadcast_in_dim3A_7 = vector.broadcast %broadcast_in_dim3A : f32 to vector<256x1xf32>
    %broadcast_in_dim3A_8 = arith.constant 0.000000e+00 : f32
    %broadcast_in_dim3A_9 = vector.broadcast %broadcast_in_dim3A_8 : f32 to vector<256x1xf32>
    %scan3A = arith.constant 0 : i32
    %scan3A_10 = arith.constant 5 : i32
    %scan3A_11 = arith.addi %scan3A, %scan3A_10 : i32
    %scan3A_12 = arith.constant 1 : i32
    %scan3A_13:2 = scf.for %scan3A_66 = %scan3A to %scan3A_11 step %scan3A_12 iter_args(%scan3A_67 = %broadcast_in_dim3A_7, %scan3A_68 = %broadcast_in_dim3A_9) -> (vector<256x1xf32>, vector<256x1xf32>)  : i32 {
      %mul3A_69 = arith.constant 2048 : i32
      %mul3A_70 = arith.muli %scan3A_66, %mul3A_69 : i32
      %get3A_71 = arith.constant 0 : index
      %get3A_72 = arith.index_cast %mul3A_70 : i32 to index
      %get3A_73 = vector.load %arg3[%get3A_71, %get3A_72] : memref<1x10240xf32, #tpu.memory_space<vmem>>, vector<1x2048xf32>
      %mul3A_74 = arith.constant 2048 : i32
      %mul3A_75 = arith.muli %scan3A_66, %mul3A_74 : i32
      %get3A_76 = arith.constant 0 : index
      %get3A_77 = arith.index_cast %mul3A_75 : i32 to index
      %get3A_78 = vector.load %arg4[%get3A_76, %get3A_77] : memref<1x10240xi32, #tpu.memory_space<vmem>>, vector<1x2048xi32>
      %mul3A_79 = arith.constant 2048 : i32
      %mul3A_80 = arith.muli %scan3A_66, %mul3A_79 : i32
      %iota3A_81 = tpu.iota {dimensions = array<i32: 1>} : vector<1x2048xi32>
      %add3A_82 = vector.broadcast %mul3A_80 : i32 to vector<1x2048xi32>
      %add3A_83 = arith.addi %add3A_82, %iota3A_81 : vector<1x2048xi32>
      %eq3A_84 = vector.broadcast %get3A_78 : vector<1x2048xi32> to vector<256x2048xi32>
      %eq3A_85 = vector.broadcast %get3A_4 : vector<256x1xi32> to vector<256x2048xi32>
      %eq3A_86 = arith.cmpi eq, %eq3A_84, %eq3A_85 : vector<256x2048xi32>
      %gt3A = vector.broadcast %get3A_73 : vector<1x2048xf32> to vector<256x2048xf32>
      %gt3A_87 = vector.broadcast %get3A_1 : vector<256x1xf32> to vector<256x2048xf32>
      %gt3A_88 = arith.cmpf ogt, %gt3A, %gt3A_87 : vector<256x2048xf32>
      %eq3A_89 = vector.broadcast %get3A_73 : vector<1x2048xf32> to vector<256x2048xf32>
      %eq3A_90 = vector.broadcast %get3A_1 : vector<256x1xf32> to vector<256x2048xf32>
      %eq3A_91 = arith.cmpf oeq, %eq3A_89, %eq3A_90 : vector<256x2048xf32>
      %lt3A_92 = vector.broadcast %add3A_83 : vector<1x2048xi32> to vector<256x2048xi32>
      %lt3A_93 = vector.broadcast %add3A_6 : vector<256x1xi32> to vector<256x2048xi32>
      %lt3A_94 = arith.cmpi slt, %lt3A_92, %lt3A_93 : vector<256x2048xi32>
      %and3A_95 = arith.andi %eq3A_91, %lt3A_94 : vector<256x2048xi1>
      %or3A = arith.ori %gt3A_88, %and3A_95 : vector<256x2048xi1>
      %and3A_96 = arith.andi %eq3A_86, %or3A : vector<256x2048xi1>
      %jit3A_97 = arith.constant 1.000000e+00 : f32
      %jit3A_98 = arith.constant 0.000000e+00 : f32
      %broadcast_in_dim3A_99 = vector.broadcast %jit3A_97 : f32 to vector<256x2048xf32>
      %broadcast_in_dim3A_100 = vector.broadcast %jit3A_98 : f32 to vector<256x2048xf32>
      %select_n3A_101 = arith.select %and3A_96, %broadcast_in_dim3A_99, %broadcast_in_dim3A_100 : vector<256x2048xi1>, vector<256x2048xf32>
      %reduce_sum3A = arith.constant dense<0.000000e+00> : vector<256xf32>
      %reduce_sum3A_102 = vector.multi_reduction <add>, %select_n3A_101, %reduce_sum3A [1] : vector<256x2048xf32> to vector<256xf32>
      %broadcast_in_dim3A_103 = vector.shape_cast %reduce_sum3A_102 : vector<256xf32> to vector<256x1xf32>
      %add3A_104 = arith.addf %scan3A_67, %broadcast_in_dim3A_103 : vector<256x1xf32>
      %jit3A_105 = arith.constant 1.000000e+00 : f32
      %jit3A_106 = arith.constant 0.000000e+00 : f32
      %broadcast_in_dim3A_107 = vector.broadcast %jit3A_105 : f32 to vector<256x2048xf32>
      %broadcast_in_dim3A_108 = vector.broadcast %jit3A_106 : f32 to vector<256x2048xf32>
      %select_n3A_109 = arith.select %eq3A_86, %broadcast_in_dim3A_107, %broadcast_in_dim3A_108 : vector<256x2048xi1>, vector<256x2048xf32>
      %reduce_sum3A_110 = arith.constant dense<0.000000e+00> : vector<256xf32>
      %reduce_sum3A_111 = vector.multi_reduction <add>, %select_n3A_109, %reduce_sum3A_110 [1] : vector<256x2048xf32> to vector<256xf32>
      %broadcast_in_dim3A_112 = vector.shape_cast %reduce_sum3A_111 : vector<256xf32> to vector<256x1xf32>
      %add3A_113 = arith.addf %scan3A_68, %broadcast_in_dim3A_112 : vector<256x1xf32>
      scf.yield %add3A_104, %add3A_113 : vector<256x1xf32>, vector<256x1xf32>
    }
    %scan3A_14 = arith.constant 5 : i32
    %add3A_15 = arith.constant 1.000000e+00 : f32
    %add3A_16 = vector.broadcast %add3A_15 : f32 to vector<256x1xf32>
    %add3A_17 = arith.addf %scan3A_13#1, %add3A_16 : vector<256x1xf32>
    %mul3A_18 = arith.constant 5.000000e-01 : f32
    %mul3A_19 = vector.broadcast %mul3A_18 : f32 to vector<256x1xf32>
    %mul3A_20 = arith.mulf %add3A_17, %mul3A_19 : vector<256x1xf32>
    %floor3A = math.floor %mul3A_20 : vector<256x1xf32>
    %lt3A = arith.cmpf olt, %scan3A_13#0, %floor3A : vector<256x1xf32>
    %lt3A_21 = arith.constant 64 : i32
    %lt3A_22 = vector.broadcast %lt3A_21 : i32 to vector<256x1xi32>
    %lt3A_23 = arith.cmpi slt, %get3A_4, %lt3A_22 : vector<256x1xi32>
    %and3A = arith.andi %lt3A, %lt3A_23 : vector<256x1xi1>
    %jit3A = arith.constant 0.000000e+00 : f32
    %broadcast_in_dim3A_24 = vector.broadcast %jit3A : f32 to vector<256x1xf32>
    %select_n3A = arith.select %and3A, %get3A_1, %broadcast_in_dim3A_24 : vector<256x1xi1>, vector<256x1xf32>
    %get3A_25 = arith.constant 0 : index
    %get3A_26 = arith.constant 0 : index
    %get3A_27 = vector.load %arg5[%get3A_25, %get3A_26] : memref<256x128xf32, #tpu.memory_space<vmem>>, vector<256x128xf32>
    %mul3A_28 = vector.broadcast %select_n3A : vector<256x1xf32> to vector<256x128xf32>
    %mul3A_29 = arith.mulf %get3A_27, %mul3A_28 : vector<256x128xf32>
    %mul3A_30 = arith.constant 256 : i32
    %mul3A_31 = arith.muli %arg0, %mul3A_30 : i32
    %get3A_32 = arith.constant 0 : index
    %get3A_33 = arith.index_cast %mul3A_31 : i32 to index
    %get3A_34 = vector.load %arg4[%get3A_32, %get3A_33] : memref<1x10240xi32, #tpu.memory_space<vmem>>, vector<1x256xi32>
    %iota3A_35 = tpu.iota {dimensions = array<i32: 0>} : vector<64x1xi32>
    %eq3A = vector.broadcast %iota3A_35 : vector<64x1xi32> to vector<64x256xi32>
    %eq3A_36 = vector.broadcast %get3A_34 : vector<1x256xi32> to vector<64x256xi32>
    %eq3A_37 = arith.cmpi eq, %eq3A, %eq3A_36 : vector<64x256xi32>
    %convert_element_type3A = arith.extui %eq3A_37 : vector<64x256xi1> to vector<64x256xi32>
    %convert_element_type3A_38 = arith.sitofp %convert_element_type3A : vector<64x256xi32> to vector<64x256xf32>
    %dot_general3A = arith.constant dense<0.000000e+00> : vector<64x128xf32>
    %dot_general3A_39 = tpu.matmul %convert_element_type3A_38, %mul3A_29, %dot_general3A {dimension_numbers = #tpu.dot_dimension_numbers<[1], [0], [0], [1], [0, 0, 1, 1], [], []>, transpose_lhs_hint = false} : vector<64x256xf32>, vector<256x128xf32>, vector<64x128xf32> -> vector<64x128xf32>
    %convert_element_type3A_40 = arith.extui %and3A : vector<256x1xi1> to vector<256x1xi32>
    %convert_element_type3A_41 = arith.sitofp %convert_element_type3A_40 : vector<256x1xi32> to vector<256x1xf32>
    %dot_general3A_42 = arith.constant dense<0.000000e+00> : vector<64x1xf32>
    %dot_general3A_43 = tpu.matmul %convert_element_type3A_38, %convert_element_type3A_41, %dot_general3A_42 {dimension_numbers = #tpu.dot_dimension_numbers<[1], [0], [0], [1], [0, 0, 1, 1], [], []>, transpose_lhs_hint = false} : vector<64x256xf32>, vector<256x1xf32>, vector<64x1xf32> -> vector<64x1xf32>
    %eq3A_44 = arith.constant 0 : i32
    %eq3A_45 = arith.cmpi eq, %arg0, %eq3A_44 : i32
    %convert_element_type3A_46 = arith.extui %eq3A_45 : i1 to i32
    %cond3A = arith.constant 0 : i32
    %cond3A_47 = arith.cmpi ne, %convert_element_type3A_46, %cond3A : i32
    scf.if %cond3A_47 {
      %broadcast_in_dim3A_66 = arith.constant 0.000000e+00 : f32
      %broadcast_in_dim3A_67 = vector.broadcast %broadcast_in_dim3A_66 : f32 to vector<64x128xf32>
      %swap3A_68 = arith.constant 0 : index
      %swap3A_69 = arith.constant 0 : index
      %swap3A_70 = vector.load %arg6[%swap3A_68, %swap3A_69] : memref<64x128xf32, #tpu.memory_space<vmem>>, vector<64x128xf32>
      tpu.vector_store %arg6[%swap3A_68, %swap3A_69], %broadcast_in_dim3A_67 {strides = array<i32>} : memref<64x128xf32, #tpu.memory_space<vmem>>, vector<64x128xf32>,
      %broadcast_in_dim3A_71 = arith.constant 0.000000e+00 : f32
      %broadcast_in_dim3A_72 = vector.broadcast %broadcast_in_dim3A_71 : f32 to vector<64x1xf32>
      %swap3A_73 = arith.constant 0 : index
      %swap3A_74 = arith.constant 0 : index
      %swap3A_75 = vector.load %arg7[%swap3A_73, %swap3A_74] : memref<64x1xf32, #tpu.memory_space<vmem>>, vector<64x1xf32>
      tpu.vector_store %arg7[%swap3A_73, %swap3A_74], %broadcast_in_dim3A_72 {strides = array<i32>} : memref<64x1xf32, #tpu.memory_space<vmem>>, vector<64x1xf32>,
    } else {
    }
    %get3A_48 = arith.constant 0 : index
    %get3A_49 = arith.constant 0 : index
    %get3A_50 = vector.load %arg6[%get3A_48, %get3A_49] : memref<64x128xf32, #tpu.memory_space<vmem>>, vector<64x128xf32>
    %add3A_51 = arith.addf %get3A_50, %dot_general3A_39 : vector<64x128xf32>
    %swap3A = arith.constant 0 : index
    %swap3A_52 = arith.constant 0 : index
    %swap3A_53 = vector.load %arg6[%swap3A, %swap3A_52] : memref<64x128xf32, #tpu.memory_space<vmem>>, vector<64x128xf32>
    tpu.vector_store %arg6[%swap3A, %swap3A_52], %add3A_51 {strides = array<i32>} : memref<64x128xf32, #tpu.memory_space<vmem>>, vector<64x128xf32>,
    %get3A_54 = arith.constant 0 : index
    %get3A_55 = arith.constant 0 : index
    %get3A_56 = vector.load %arg7[%get3A_54, %get3A_55] : memref<64x1xf32, #tpu.memory_space<vmem>>, vector<64x1xf32>
    %add3A_57 = arith.addf %get3A_56, %dot_general3A_43 : vector<64x1xf32>
    %swap3A_58 = arith.constant 0 : index
    %swap3A_59 = arith.constant 0 : index
    %swap3A_60 = vector.load %arg7[%swap3A_58, %swap3A_59] : memref<64x1xf32, #tpu.memory_space<vmem>>, vector<64x1xf32>
    tpu.vector_store %arg7[%swap3A_58, %swap3A_59], %add3A_57 {strides = array<i32>} : memref<64x1xf32, #tpu.memory_space<vmem>>, vector<64x1xf32>,
    %eq3A_61 = arith.constant 39 : i32
    %eq3A_62 = arith.cmpi eq, %arg0, %eq3A_61 : i32
    %convert_element_type3A_63 = arith.extui %eq3A_62 : i1 to i32
    %cond3A_64 = arith.constant 0 : i32
    %cond3A_65 = arith.cmpi ne, %convert_element_type3A_63, %cond3A_64 : i32
    scf.if %cond3A_65 {
      %get3A_66 = arith.constant 0 : index
      %get3A_67 = arith.constant 0 : index
      %get3A_68 = vector.load %arg6[%get3A_66, %get3A_67] : memref<64x128xf32, #tpu.memory_space<vmem>>, vector<64x128xf32>
      %get3A_69 = arith.constant 0 : index
      %get3A_70 = arith.constant 0 : index
      %get3A_71 = vector.load %arg7[%get3A_69, %get3A_70] : memref<64x1xf32, #tpu.memory_space<vmem>>, vector<64x1xf32>
      %max3A = arith.constant 1.000000e+00 : f32
      %max3A_72 = vector.broadcast %max3A : f32 to vector<64x1xf32>
      %max3A_73 = arith.maximumf %get3A_71, %max3A_72 : vector<64x1xf32>
      %div3A = vector.broadcast %max3A_73 : vector<64x1xf32> to vector<64x128xf32>
      %div3A_74 = arith.divf %get3A_68, %div3A : vector<64x128xf32>
      %swap3A_75 = arith.constant 0 : index
      %swap3A_76 = arith.constant 0 : index
      %swap3A_77 = vector.load %arg6[%swap3A_75, %swap3A_76] : memref<64x128xf32, #tpu.memory_space<vmem>>, vector<64x128xf32>
      tpu.vector_store %arg6[%swap3A_75, %swap3A_76], %div3A_74 {strides = array<i32>} : memref<64x128xf32, #tpu.memory_space<vmem>>, vector<64x128xf32>,
    } else {
    }
    return
  }
  func.func @transform_0(%arg0: i32) -> (i32, i32) {
    %c0_i32 = arith.constant 0 : i32
    %c0_i32_0 = arith.constant 0 : i32
    return %arg0, %c0_i32 : i32, i32
  }
  func.func @transform_1(%arg0: i32) -> (i32, i32) {
    %c0_i32 = arith.constant 0 : i32
    %c0_i32_0 = arith.constant 0 : i32
    return %arg0, %c0_i32 : i32, i32
  }
  func.func @transform_2(%arg0: i32) -> (i32, i32) {
    %c0_i32 = arith.constant 0 : i32
    %c0_i32_0 = arith.constant 0 : i32
    %c0_i32_1 = arith.constant 0 : i32
    return %c0_i32, %c0_i32_0 : i32, i32
  }
  func.func @transform_3(%arg0: i32) -> (i32, i32) {
    %c0_i32 = arith.constant 0 : i32
    %c0_i32_0 = arith.constant 0 : i32
    %c0_i32_1 = arith.constant 0 : i32
    return %c0_i32, %c0_i32_0 : i32, i32
  }
  func.func @transform_4(%arg0: i32) -> (i32, i32) {
    %c0_i32 = arith.constant 0 : i32
    %c0_i32_0 = arith.constant 0 : i32
    return %arg0, %c0_i32 : i32, i32
  }
  func.func @transform_5(%arg0: i32) -> (i32, i32) {
    %c0_i32 = arith.constant 0 : i32
    %c0_i32_0 = arith.constant 0 : i32
    %c0_i32_1 = arith.constant 0 : i32
    return %c0_i32, %c0_i32_0 : i32, i32
  }
}

</mosaic_0001>

<sc_bundles>
// kernel: kernel.5.cloned.1.call-start
scs
__scs_entry_jumppad:
0x0: {  	(pc) =	sbr.rel $0x88, $3  }
0x1: {  	(tag) =	ssettag $0x0;
	lr =	simm.s32 $0x1  }
0x2: {  	[smem:$0x3F9B] =	sst lr;
	_ =	strace $0xD0000000  }
0x3: {  	_ = 	snop  }
0x4: {  	_ = 	snop  }
0x5: {  	_ = 	snop  }
0x6: {  	_ = 	snop  }
0x7: {  	_ = 	snop  }
__scs_overlays_trampoline_lowered:
0x8: {  	[smem:$0x3FAA] =	sst s0  }
0x9: {  	[smem:$0x3FAB] =	sst s1  }
0xa: {  	[smem:$0x3FAC] =	sst s2  }
0xb: {  	[smem:$0x3FAD] =	sst s3  }
0xc: {  	[smem:$0x3FAE] =	sst s4  }
0xd: {  	[smem:$0x3FAF] =	sst s5  }
0xe: {  	[smem:$0x3FB0] =	sst s6  }
0xf: {  	[smem:$0x3FB1] =	sst s7  }
0x10: {  	[smem:$0x3FB2] =	sst s8  }
0x11: {  	[smem:$0x3FB3] =	sst s9;
	s0 =	simm.s32 @!p0 $0x0  }
0x12: {  	s1 =	sld [smem:$0x3F99];
	s0 =	simm.s32 @p0 $0x1  }
0x13: {  	[smem:$0x3FB4] =	sst s0;
	s0 =	simm.s32 @!p1 $0x0  }
0x14: {  	s2 =	sld [smem:$0x3F98];
	s0 =	simm.s32 @p1 $0x1  }
0x15: {  	[smem:$0x3FB5] =	sst s0;
	s0 =	simm.s32 @!p2 $0x0  }
0x16: {  	s3 =	sld [smem:$0x3FDB];
	s0 =	simm.s32 @p2 $0x1  }
0x17: {  	s4 =	simm.s32 $0x1BF5;
	[smem:$0x3FB7] =	sst s0  }
0x18: {  	s0 =	sld [smem:$0x3F9A];
	_ =	swait.ge [sflag:s4], $0x0  }
0x19: {  	s7 =	sld [smem:$0x3F9B]  }
0x1a: {  	s8 =	sadd.s32 $0xFFFFE003, lr  }
0x1b: {  	s9 =	sadd.s32 $0xFFFFFEF7, lr;
	s5 =	simm.s32 $0xFFFFFFFF;
	p2 =	slt.u32 s8, $0xFFFFF086  }
0x1c: {  	p1 =	slt.u32 s9, $0xF7A;
	s5 =	simm.s32 @!p2 $0x0  }
0x1d: {  	s5 =	simm.s32 @p1 $0x1;
	p0 =	seq.s32 s7, s2  }
0x1e: {  	s7 =	smul.u32 @!p0 $0xF7A, s2;
	p2 =	seq.s32 @!p0 s5, $0x0  }
0x1f: {  	s9 =	smul.u32 $0xF7A, s1;
	s8 =	simm.s32 @!p0 $0x1BF5;
	p2 =	por !p2, p0  }
0x20: {  	[sflag:s8] =	ssyncset.s32 @!p0 $0xFFFFF086;
	s6 =	sadd.s32 @!p0 s3, s7;
	s7 =	simm.s32 @!p0 $0x108  }
0x21: {  	s3 =	sadd.s32 s3, s9;
	s6 =	sadd.s32 @!p0 $0x88, s6;
	s7 =	simm.s32 @p2 $0x1082  }
0x22: {  	[simem:s7], [sflag:s8] =	dma.local @!p0 [hbm:s6], $0xF7A  }
0x23: {  	s9 =	sor.u32 $0xD0000000, s2;
	s6 =	simm.s32 $0x108;
	_ =	swait.ge @!p0 [sflag:s8], $0x0  }
0x24: {  	s3 =	sadd.s32 $0x88, s3;
	s6 =	simm.s32 @!p1 $0x1082;
	[sflag:s4] =	ssyncset.s32 $0xFFFFF086  }
0x25: {  	[simem:s6], [sflag:s4] =	dma.local [hbm:s3], $0xF7A  }
0x26: {  	[smem:$0x3F9B] =	sst s1;
	(tag) =	ssettag s2;
	_ =	strace s9  }
0x27: {  	s1 =	sld [smem:$0x3FAB]  }
0x28: {  	s2 =	sld [smem:$0x3FAC]  }
0x29: {  	s4 =	sld [smem:$0x3FAE]  }
0x2a: {  	p0 =	seq.s32 s5, $0x0;
	s5 =	sld [smem:$0x3FAF]  }
0x2b: {  	s6 =	sld [smem:$0x3FB0]  }
0x2c: {  	s7 =	sld [smem:$0x3FB1]  }
0x2d: {  	s3 =	simm.s32 $0x108;
	s8 =	sld [smem:$0x3FB2]  }
0x2e: {  	s3 =	simm.s32 @!p0 $0x1082;
	s9 =	sld [smem:$0x3FB3]  }
0x2f: {  	lr =	sadd.s32 s0, s3;
	s0 =	sld [smem:$0x3FAA]  }
0x30: {  	s3 =	sld [smem:$0x3FAD]  }
0x31: {  	[smem:$0x3FB6] =	sst s10  }
0x32: {  	s10 =	sld [smem:$0x3FB4];
	_ =	sdelay $0x3  }
0x33: {  	p0 =	seq.s32 s10, $0x1;
	s10 =	sld [smem:$0x3FB6];
	_ =	sdelay $0x3  }
0x34: {  	[smem:$0x3FB6] =	sst s10  }
0x35: {  	s10 =	sld [smem:$0x3FB5];
	_ =	sdelay $0x3  }
0x36: {  	p1 =	seq.s32 s10, $0x1;
	s10 =	sld [smem:$0x3FB6];
	_ =	sdelay $0x3  }
0x37: {  	[smem:$0x3FB6] =	sst s10  }
0x38: {  	s10 =	sld [smem:$0x3FB7]  }
0x39: {  	_ = 	snop;
	(pc) =	sbr.ind lr, $3  }
0x3a: {  	_ = 	snop  }
0x3b: {  	_ = 	snop  }
0x3c: {  	p2 =	seq.s32 s10, $0x1;
	s10 =	sld [smem:$0x3FB6]  }
0x3d: {  	_ =	shalt  }
0x3e: {  	_ =	shalt  }
0x3f: {  	_ =	shalt  }
0x40: {  	_ =	shalt  }
0x41: {  	_ =	shalt  }
0x42: {  	_ =	shalt  }
0x43: {  	_ =	shalt  }
0x44: {  	_ =	shalt  }
0x45: {  	_ =	shalt  }
0x46: {  	_ =	shalt  }
0x47: {  	_ =	shalt  }
0x48: {  	_ =	shalt  }
0x49: {  	_ =	shalt  }
0x4a: {  	_ =	shalt  }
0x4b: {  	_ =	shalt  }
0x4c: {  	_ =	shalt  }
0x4d: {  	_ =	shalt  }
0x4e: {  	_ =	shalt  }
0x4f: {  	_ =	shalt  }
0x50: {  	_ =	shalt  }
0x51: {  	_ =	shalt  }
0x52: {  	_ =	shalt  }
0x53: {  	_ =	shalt  }
0x54: {  	_ =	shalt  }
0x55: {  	_ =	shalt  }
0x56: {  	_ =	shalt  }
0x57: {  	_ =	shalt  }
0x58: {  	_ =	shalt  }
0x59: {  	_ =	shalt  }
0x5a: {  	_ =	shalt  }
0x5b: {  	_ =	shalt  }
0x5c: {  	_ =	shalt  }
0x5d: {  	_ =	shalt  }
0x5e: {  	_ =	shalt  }
0x5f: {  	_ =	shalt  }
0x60: {  	_ =	shalt  }
0x61: {  	_ =	shalt  }
0x62: {  	_ =	shalt  }
0x63: {  	_ =	shalt  }
0x64: {  	_ =	shalt  }
0x65: {  	_ =	shalt  }
0x66: {  	_ =	shalt  }
0x67: {  	_ =	shalt  }
0x68: {  	_ =	shalt  }
0x69: {  	_ =	shalt  }
0x6a: {  	_ =	shalt  }
0x6b: {  	_ =	shalt  }
0x6c: {  	_ =	shalt  }
0x6d: {  	_ =	shalt  }
0x6e: {  	_ =	shalt  }
0x6f: {  	_ =	shalt  }
0x70: {  	_ =	shalt  }
0x71: {  	_ =	shalt  }
0x72: {  	_ =	shalt  }
0x73: {  	_ =	shalt  }
0x74: {  	_ =	shalt  }
0x75: {  	_ =	shalt  }
0x76: {  	_ =	shalt  }
0x77: {  	_ =	shalt  }
0x78: {  	_ =	shalt  }
0x79: {  	_ =	shalt  }
0x7a: {  	_ =	shalt  }
0x7b: {  	_ =	shalt  }
0x7c: {  	_ =	shalt  }
0x7d: {  	_ =	shalt  }
0x7e: {  	_ =	shalt  }
0x7f: {  	_ =	shalt  }
0x80: {  	_ =	shalt  }
0x81: {  	_ =	shalt  }
0x82: {  	_ =	shalt  }
0x83: {  	_ =	shalt  }
0x84: {  	_ =	shalt  }
0x85: {  	_ =	shalt  }
0x86: {  	_ =	shalt  }
0x87: {  	_ =	shalt  }
.Lfunc_end0:
.L_simem_size_0:
called_computation_lowered:
.L_overlay_start_0:
0x88: {  	s2 =	sld [smem:$0x3FD9]  }
0x89: {  	s3 =	sld [smem:$0x3FFE];
	_ =	sdelay $0x1  }
0x8a: {  	s1 =	srdreg.scid  }
0x8b: {  	s0 =	sand.u32 $0x1, s1  }
0x8c: {  	s17 =	sshll.u32 s0, $0xA;
	s2 =	sadd.s32 s3, s2  }
0x8d: {  	s2 =	sadd.s32 s2, s17  }
0x8e: {  	[smem:$0x3FC2] =	sst s2  }
0x8f: {  	_ = 	snop  }
0x90: {  	s2 =	sld [smem:$0x3FC9];
	(tm) =	ssettm $0x1  }
0x91: {  	s18 =	sld [smem:$0x3FFB];
	_ =	sdelay $0x3  }
0x92: {  	_ =	strace s18  }
0x93: {  	s3 =	sld [smem:$0x3FFC];
	_ =	sdelay $0x3  }
0x94: {  	_ =	strace s3  }
0x95: {  	s3 =	sld [smem:$0x3FFD];
	_ =	sdelay $0x3  }
0x96: {  	_ =	strace s3  }
0x97: {  	_ =	strace $0x8FFFFFFF  }
0x98: {  	s19 =	sld [smem:$0x3FDB];
	_ =	sdelay $0x1  }
0x99: {  	s4 =	simm.s32 $_scs_section_size  }
0x9a: {  	s5 =	simm.s32 $_size__tile_overlayer_lowered;
	s6 =	simm.s32 $_tile_overlayer_lowered  }
0x9b: {  	s22 =	simm.s32 $0x1BFF;
	s21 =	sshll.u32 s6, $0x1;
	s3 =	sadd.s32 s4, s19  }
0x9c: {  	s7 =	simm.s32 $0x0;
	s20 =	sshll.u32 s5, $0x1;
	s5 =	sadd.s32 s21, s3  }
0x9d: {  	[timem:s7], [sflag:s22] =	dma.local [hbm:s5], s20  }
0x9e: {  	_ =	swait.ge [sflag:s22], s20  }
0x9f: {  	s4 =	ssub.s32 $0x0, s20;
	[sflag:s22] =	ssyncset.done $0x0  }
0xa0: {  	[sflag:s22] =	ssyncadd.s32 s4;
	_ =	sdelay $0x1  }
0xa1: {  	s23 =	simm.s32 $0x1B8B  }
0xa2: {  	_ =	swait.ge [sflag:s23], $0x1  }
0xa3: {  	[sflag:s23] =	ssyncset.done $0x0  }
0xa4: {  	s25 =	simm.s32 $0x1B8E;
	s24 =	sld [smem:$0x3FFE];
	[sflag:s23] =	ssyncadd.s32 $0xFFFFFFFF  }
0xa5: {  	s26 =	simm.s32 $execute0_lowered;
	[smem:$0x3FD2] =	sst s25  }
0xa6: {  	s5 =	sshll.u32 s26, $0x1;
	_ =	strace $0x80000046;
	[dreg:$0x1] =	wrdreg $0xFFFFFFFF  }
0xa7: {  	s28 =	simm.s32 $_size_execute0_lowered;
	s3 =	sadd.s32 s3, s5;
	[dreg:$0x0] =	wrdreg $0x0  }
0xa8: {  	s5 =	sshll.u32 s28, $0x1;
	[dreg:$0x2] =	wrdreg s3  }
0xa9: {  	[dreg:$0x3] =	wrdreg s5  }
0xaa: {  	[dreg:$0x4] =	wrdreg $0xC0  }
0xab: {  	_ =	task [dreg:s7], $0x5FFFF  }
0xac: {  	[dreg:$0x1] =	wrdreg $0xFFFFFFFF  }
0xad: {  	[dreg:$0x0] =	wrdreg $0x60  }
0xae: {  	[dreg:$0x2] =	wrdreg s2  }
0xaf: {  	[dreg:$0x3] =	wrdreg s24  }
0xb0: {  	[dreg:$0x4] =	wrdreg $0xA8000  }
0xb1: {  	[dreg:$0x5] =	wrdreg $0x9  }
0xb2: {  	_ =	task.clear_ibuf [dreg:s7], $0x6FFFF;
	_ =	strace $0x90000046  }
0xb3: {  	s29 =	simm.s32 $0x9;
	_ =	strace $0x80000048  }
0xb4: {  	_ =	swait.ge [sflag:s29], $0x1  }
0xb5: {  	[sflag:s29] =	ssyncadd.s32 $0xFFFFFFFF  }
0xb6: {  	_ =	strace $0x90000048  }
0xb7: {  	_ =	sfence  }
0xb8: {  	s30 =	sld [smem:$0x0];
	_ =	sdelay $0x2  }
0xb9: {  	s31 =	sshll.u32 s1, $0xD;
	s1 =	sshrl.u32 s1, $0x2  }
0xba: {  	s3 =	sand.u32 $0x4000, s31;
	s1 =	sadd.s32 s1, s30  }
0xbb: {  	s0 =	sor.u32 s3, s0;
	s1 =	sshll.u32 s1, $0x11  }
0xbc: {  	s0 =	sor.u32 s1, s0  }
0xbd: {  	s0 =	sadd.s32 $0x8F2B, s0  }
0xbe: {  	[sflag:s0] =	ssyncadd.remote.s32 $0x1  }
0xbf: {  	_ =	sfence.sel $0xFFFF  }
0xc0: {  	[dreg:$0x0] =	wrdreg $0xFFFFFFFF;
	(pc) =	sbr.abs _section_cstart, $3  }
0xc1: {  	[dreg:$0x1] =	wrdreg $0xFFFFFFFF  }
0xc2: {  	_ =	task.clear_ibuf [dreg:s7], $0x2FFFF;
	_ =	strace $0x9FFFFFFF  }
0xc3: {  	(tm) =	ssettm $0x7FFFFFFF  }
tec
execute0_lowered:
.L_overlay_start_1:
0x0: {  	(tag) =	ssettag $0x1  }
0x1: {  	s1 =	rddreg [dreg:$0x0]  }
0x2: {  	s6 =	rddreg [dreg:$0x1]  }
0x3: {  	s3 =	rddreg [dreg:$0x2]  }
0x4: {  	s0 =	rddreg [dreg:$0x3];
	s5 =	srdreg.scid  }
0x5: {  	s4 =	simm.s32 $0x0;
	s2 =	stileid.u32;
	s13 =	simm.s32 $0x4000  }
0x6: {  	s14 =	simm.s32 $0x50;
	s15 =	simm.s32 $0x8000;
	s16 =	simm.s32 $0x1  }
0x7: {  	s17 =	simm.s32 $0x0;
	s7 =	sand.u32 $0x1, s5;
	s9 =	smul.u32 $0x2780, s2  }
0x8: {  	s8 =	sshll.u32 s2, $0xB;
	[smem:$0x7FF] =	sst s4;
	s11 =	smul.u32 $0x4F000, s2  }
0x9: {  	s31 =	sshll.u32 s2, $0x6;
	s5 =	sshll.u32 s7, $0xF;
	s26 =	smul.u32 $0x27800, s7  }
0xa: {  	_ =	strace $0x80000047;
	s7 =	ssub.s32 $0x2, s7;
	s5 =	sor.u32 s8, s5  }
0xb: {  	s28 =	sshrl.u32 s7, $0x1;
	s29 =	sshrl.u32 s11, $0x2;
	s10 =	sadd.s32 s5, s6  }
0xc: {  	s5 =	sadd.s32 $0x20A00, s6;
	s8 =	sadd.s32 s9, s26;
	s30 =	ssub.s32 s7, s28  }
0xd: {  	s12 =	sadd.s32 s29, s3;
	s9 =	sadd.s32 s8, s6;
	s6 =	sor.u32 $0x1C02, s31  }
0xe: {  	s7 =	sadd.s32 $0xA00, s10;
	s8 =	sadd.s32 $0x10A00, s10;
	s10 =	smax.u32 s30, $0x1  }
0xf: {  	s11 =	sshrl.u32 s12, $0x3;
	s12 =	simm.s32 $0x2;
	s9 =	sadd.s32 $0x23200, s9  }
.LBB2_1:
0x10: {  	[spmem:s11], [sflag:s6] =	dma.local [hbm:s5], $0x2780  }
0x11: {  	_ =	swait.ge [sflag:s12], $0x2780  }
0x12: {  	[sflag:s12] =	ssyncset.done $0x0  }
0x13: {  	[sflag:s12] =	ssyncadd.s32 $0xFFFFD880  }
0x14: {  	[tilespmem:s4], [sflag:$0x2] =	stream.linear.gather [hbm4b:s7+s4], $0x3E80, $0x38;
	[tilespmem:$0x1E400] =	vst v63  }
0x15: {  	_ =	swait.ge [sflag:s12], $0x3E80  }
0x16: {  	[sflag:s12] =	ssyncset.done $0x0  }
0x17: {  	[sflag:s12] =	ssyncadd.s32 $0xFFFFC180  }
0x18: {  	[tilespmem:s13], [sflag:$0x2] =	stream.linear.gather [hbm4b:s8+s4], $0x3E80, $0x38;
	[tilespmem:$0x1E400] =	vst v63  }
0x19: {  	_ =	swait.ge [sflag:s12], $0x3E80  }
0x1a: {  	[sflag:s12] =	ssyncset.done $0x0  }
0x1b: {  	[sflag:s12] =	ssyncadd.s32 $0xFFFFC180  }
0x1c: {  	s18 =	simm.s32 $0x0;
	[bflag:$0x0] =	sbarrier.arrive $0xFFFF  }
0x1d: {  	[tilespmem:s15], [sflag:$0x1] =	stream.indirect.gather [hbm4b:s1+s14], $0x80, s18, s14, $0xb8;
	[tilespmem:$0x1E400] =	vst v63  }
0x1e: {  	_ =	swait.ge [sflag:s16], $0x2800  }
0x1f: {  	[sflag:s16] =	ssyncset.done $0x0  }
0x20: {  	s31 =	simm.s32 $0x4000;
	[sflag:s16] =	ssyncadd.s32 $0xFFFFD800  }
0x21: {  	[spmem:s3] =	stream.indirect.scatter.add.f32 [tilespmem:s15], [sflag:$0x2], $0x80, s31, s14, $0xb8;
	[tilespmem:$0x1E400] =	vst v63  }
0x22: {  	_ =	swait.ge [sflag:s12], $0x2800  }
0x23: {  	s19 =	simm.s32 $0x400;
	s18 =	simm.s32 $0x200;
	[sflag:s12] =	ssyncset.done $0x0  }
.LBB2_2:
0x24: {  	s20 =	sshra.s32 s18, $0x2  }
0x25: {  	[sflag:s12] =	ssyncadd.s32 $0xFFFFD800;
	s18 =	smov.u32 s19;
	s21 =	sadd.s32 $0x200, s19  }
0x26: {  	[tilespmem:s15], [sflag:$0x1] =	stream.indirect.gather [hbm4b:s1+s14], $0x80, s20, s14, $0xb8;
	[tilespmem:$0x1E400] =	vst v63  }
0x27: {  	p0 =	sne.s32 s19, $0xF800;
	_ =	swait.ge [sflag:s16], $0x2800  }
.Ltmp0:
0x28: {  	[sflag:s16] =	ssyncset.done $0x0;
	(pc) =	sbr.rel @p0 .LBB2_2-.Ltmp0, $4  }
0x29: {  	s19 =	sadd.s32 $0x4000, s20;
	[sflag:s16] =	ssyncadd.s32 $0xFFFFD800  }
0x2a: {  	[spmem:s3] =	stream.indirect.scatter.add.f32 [tilespmem:s15], [sflag:$0x2], $0x80, s19, s14, $0xb8;
	[tilespmem:$0x1E400] =	vst v63  }
0x2b: {  	_ =	swait.ge [sflag:s12], $0x2800  }
0x2c: {  	s19 =	smov.u32 s21;
	[sflag:s12] =	ssyncset.done $0x0  }
0x2d: {  	s18 =	sshra.s32 s18, $0x2;
	[sflag:s12] =	ssyncadd.s32 $0xFFFFD800  }
0x2e: {  	[tilespmem:s15], [sflag:$0x1] =	stream.indirect.gather [hbm4b:s1+s14], $0x80, s18, s14, $0xb8;
	[tilespmem:$0x1E400] =	vst v63  }
0x2f: {  	_ =	swait.ge [sflag:s16], $0x2800  }
0x30: {  	[sflag:s16] =	ssyncset.done $0x0  }
0x31: {  	s18 =	sadd.s32 $0x4000, s18;
	[sflag:s16] =	ssyncadd.s32 $0xFFFFD800  }
0x32: {  	[spmem:s3] =	stream.indirect.scatter.add.f32 [tilespmem:s15], [sflag:$0x2], $0x80, s18, s14, $0xb8;
	[tilespmem:$0x1E400] =	vst v63  }
0x33: {  	_ =	swait.ge [sflag:s12], $0x2800  }
0x34: {  	s17 =	sadd.s32 $0x1, s17;
	[sflag:s12] =	ssyncset.done $0x0  }
0x35: {  	p0 =	sne.s32 s17, s10;
	[sflag:s12] =	ssyncadd.s32 $0xFFFFD800  }
.Ltmp1:
0x36: {  	[bflag:$0x0] =	sbarrier.arrive $0xFFFF;
	(pc) =	sbr.rel @p0 .LBB2_1-.Ltmp1, $4  }
0x37: {  	[hbm:s9], [sflag:s6] =	dma.local [spmem:s11], $0x2780  }
0x38: {  	_ =	swait.ge [sflag:s12], $0x2780  }
0x39: {  	[sflag:s12] =	ssyncset.done $0x0  }
0x3a: {  	[sflag:s12] =	ssyncadd.s32 $0xFFFFD880  }
0x3b: {  	_ =	sfence.sel $0x180000  }
0x3c: {  	[bflag:$0x0] =	sbarrier.arrive $0xFFFF  }
0x3d: {  	p0 =	sne.s32 s2, $0x0;
	_ =	strace $0x90000047  }
0x3e: {  	s0 =	sadd.s32 @!p0 $0x100000, s0;
	[bflag:$0x2] =	sbarrier.arrive $0xFFFF  }
0x3f: {  	[sflag:s0] =	ssyncadd.tile.s32 @!p0 $0x1;
	_ =	shalt  }
.Lfunc_end2:
_tile_overlayer_lowered:
.L_overlay_start_2:
0x40: {  	(tag) =	ssettag $0x2  }
0x41: {  	s0 =	rddreg [dreg:$0x0];
	s2 =	stileid.u32  }
0x42: {  	s1 =	rddreg [dreg:$0x1];
	p0 =	sne.s32 s2, $0x0  }
0x43: {  	s3 =	rddreg [dreg:$0x2];
	[bflag:$0x3] =	sbarrier.arrive $0xFFFF;
	s2 =	simm.s32 @!p0 $0x1C02  }
0x44: {  	[timem:s3], [sflag:s2] =	dma.local @!p0 [hbm:s0], s1  }
0x45: {  	s0 =	simm.s32 @!p0 $0x2  }
0x46: {  	_ =	swait.ge @!p0 [sflag:s0], s1  }
0x47: {  	s1 =	ssub.s32 @!p0 $0x0, s1;
	[sflag:s0] =	ssyncset.done @!p0 $0x0  }
0x48: {  	[sflag:s0] =	ssyncadd.s32 @!p0 s1  }
0x49: {  	[bflag:$0x3] =	sbarrier.arrive $0xFFFF  }
0x4a: {  	_ =	shalt  }

</sc_bundles>
